<compile_context>
chip_gen: v7x
topology: tpu7x:2x2x1
jax: 0.10.2.dev20260603
libtpu: 0.0.44.dev20260713+nightly
codegen_flags: <defaults>
</compile_context>

<pallas_src>
import functools

import jax
import jax.numpy as jnp
from jax import lax
from jax.experimental import pallas as pl
from jax.experimental.pallas import tpu as pltpu, tpu_sc as plsc

_info = plsc.get_sparse_core_info()
_NC, _NS, _L = _info.num_cores, _info.num_subcores, _info.num_lanes
_NCH = 4


@functools.lru_cache(maxsize=None)
def _build(B: int, S: int, D: int):
    NW = _NC * _NS
    bpw = B // NW
    ch = bpw // _NCH
    mesh = plsc.VectorSubcoreMesh(core_axis_name="c", subcore_axis_name="s")

    @functools.partial(
        pl.kernel,
        mesh=mesh,
        out_type=jax.ShapeDtypeStruct((B, D), jnp.float32),
        scratch_types=[
            pltpu.VMEM((16,), jnp.int32),
            pltpu.VMEM((bpw,), jnp.int32),
            pltpu.VMEM((bpw, D), jnp.float32),
            pltpu.SemaphoreType.DMA,
            pltpu.SemaphoreType.DMA,
        ],
    )
    def gather_rows(table_hbm, idx_hbm, out_hbm, idx_stage, row_idx, rows,
                    gsem, ssem):
        wid = lax.axis_index("s") * _NC + lax.axis_index("c")
        base = wid * bpw
        pltpu.sync_copy(idx_hbm, idx_stage)
        idx_vec = idx_stage[...]
        lane = lax.iota(jnp.int32, _L)
        gathers = []
        for c in range(_NCH):
            for j in range(c * ch // _L, (c + 1) * ch // _L):
                row_idx[pl.ds(j * _L, _L)] = (base + j * _L + lane) * S + idx_vec
            gathers.append(
                pltpu.async_copy(table_hbm.at[row_idx.at[pl.ds(c * ch, ch)]],
                                 rows.at[pl.ds(c * ch, ch)], gsem))
        scatters = []
        for c in range(_NCH):
            gathers[c].wait()
            scatters.append(
                pltpu.async_copy(rows.at[pl.ds(c * ch, ch)],
                                 out_hbm.at[pl.ds(base + c * ch, ch)], ssem))
        for s in scatters:
            s.wait()

    return gather_rows


def kernel(input, indices):
    B, S, D = input.shape
    table = input.reshape(B * S, D)
    idx = jnp.broadcast_to(indices.astype(jnp.int32), (16,))
    out = _build(B, S, D)(table, idx)
    return out.reshape(B, 1, D)

# --- scband reference (transcript-rebuilt; emitter-appended) ---
"""Pipeline reference for scband-index-select-single-idx-module-1082331759283 (READ-ONLY COPY).

The authoritative reference and input builder live on the scoring server;
editing this copy changes nothing except your own understanding.
"""

import jax, jax.numpy as jnp
import numpy as np


def setup_inputs(seed: int = 0) -> dict:
    key = jax.random.key(seed)
    k1, k2 = jax.random.split(key)
    inp = jax.random.normal(k1, (4096, 200, 128), dtype=jnp.float32)
    indices = jax.random.randint(k2, (1,), 0, 200).astype(jnp.int64)
    return {"input": inp, "indices": indices}


def reference(input, indices):
    # torch.index_select(input, 1, indices) == gather slices along axis 1
    return jnp.take(input, indices, axis=1)

if __name__ == "__main__":
    import jax
    _d = setup_inputs()
    print(jax.jit(kernel)(*tuple(_d.values())))

</pallas_src>

<mosaic_0001>
#map = affine_map<(d0, d1) -> (0, 0)>
#map1 = affine_map<(d0, d1) -> (0)>
module attributes {stable_mosaic.version = 14 : i64} {
  func.func @gather_rows(%arg0: i32, %arg1: i32, %arg2: memref<819200x128xf32, #tpu.memory_space<hbm>>, %arg3: memref<16xi32, #tpu.memory_space<hbm>>, %arg4: memref<4096x128xf32, #tpu.memory_space<hbm>>, %arg5: memref<16xi32, #tpu.memory_space<vmem>>, %arg6: memref<128xi32, #tpu.memory_space<vmem>>, %arg7: memref<128x128xf32, #tpu.memory_space<vmem>>, %arg8: memref<!tpu.dma_semaphore, #tpu.memory_space<semaphore_mem>>, %arg9: memref<!tpu.dma_semaphore, #tpu.memory_space<semaphore_mem>>) attributes {dimension_semantics = [#tpu.dimension_semantics<core_parallel>, #tpu.dimension_semantics<subcore_parallel>], iteration_bounds = array<i64: 2, 16>, scalar_prefetch = 0 : i64, scratch_operands = 5 : i64, tpu.core_type = #tpu.core_type<sc_vector_subcore>, window_params = [{transform_indices = #map}, {transform_indices = #map1}, {transform_indices = #map}]} {
    %mul3A = arith.constant 2 : i32
    %mul3A_0 = arith.muli %arg1, %mul3A : i32
    %add3A = arith.addi %mul3A_0, %arg0 : i32
    %mul3A_1 = arith.constant 128 : i32
    %mul3A_2 = arith.muli %add3A, %mul3A_1 : i32
    "tpu.region"() ({
      %run_scoped3A = tpu.sem_alloc : memref<!tpu.dma_semaphore, #tpu.memory_space<semaphore_mem>>
      tpu.enqueue_dma source(%arg3 : memref<16xi32, #tpu.memory_space<hbm>>) target(%arg5 : memref<16xi32, #tpu.memory_space<vmem>>) target_semaphore(%run_scoped3A : memref<!tpu.dma_semaphore, #tpu.memory_space<semaphore_mem>>)
      tpu.wait_dma2 semaphore(%run_scoped3A : memref<!tpu.dma_semaphore, #tpu.memory_space<semaphore_mem>>) src(%arg3 : memref<16xi32, #tpu.memory_space<hbm>>) dst(%arg5 : memref<16xi32, #tpu.memory_space<vmem>>)
      tpu.yield
    }) : () -> ()
    %get3A = arith.constant 0 : index
    %get3A_3 = tpu.vector_load %arg5[%get3A] {strides = array<i32>} : memref<16xi32, #tpu.memory_space<vmem>>, vector<16xi32>,
    %get3A_4 = vector.shape_cast %get3A_3 : vector<16xi32> to vector<16xi32>
    %iota3A = tpu.iota {dimensions = array<i32: 0>} : vector<16xi32>
    %add3A_5 = arith.constant 0 : i32
    %add3A_6 = arith.addi %mul3A_2, %add3A_5 : i32
    %add3A_7 = vector.broadcast %add3A_6 : i32 to vector<16xi32>
    %add3A_8 = arith.addi %add3A_7, %iota3A : vector<16xi32>
    %mul3A_9 = arith.constant 200 : i32
    %mul3A_10 = vector.broadcast %mul3A_9 : i32 to vector<16xi32>
    %mul3A_11 = arith.muli %add3A_8, %mul3A_10 : vector<16xi32>
    %add3A_12 = arith.addi %mul3A_11, %get3A_4 : vector<16xi32>
    %swap3A = arith.constant 0 : index
    %swap3A_13 = tpu.vector_load %arg6[%swap3A] {strides = array<i32>} : memref<128xi32, #tpu.memory_space<vmem>>, vector<16xi32>,
    %swap3A_14 = vector.shape_cast %swap3A_13 : vector<16xi32> to vector<16xi32>
    %swap3A_15 = vector.shape_cast %add3A_12 : vector<16xi32> to vector<16xi32>
    tpu.vector_store %arg6[%swap3A], %swap3A_15 {strides = array<i32>} : memref<128xi32, #tpu.memory_space<vmem>>, vector<16xi32>,
    %add3A_16 = arith.constant 16 : i32
    %add3A_17 = arith.addi %mul3A_2, %add3A_16 : i32
    %add3A_18 = vector.broadcast %add3A_17 : i32 to vector<16xi32>
    %add3A_19 = arith.addi %add3A_18, %iota3A : vector<16xi32>
    %mul3A_20 = arith.constant 200 : i32
    %mul3A_21 = vector.broadcast %mul3A_20 : i32 to vector<16xi32>
    %mul3A_22 = arith.muli %add3A_19, %mul3A_21 : vector<16xi32>
    %add3A_23 = arith.addi %mul3A_22, %get3A_4 : vector<16xi32>
    %swap3A_24 = arith.constant 16 : index
    %swap3A_25 = tpu.vector_load %arg6[%swap3A_24] {strides = array<i32>} : memref<128xi32, #tpu.memory_space<vmem>>, vector<16xi32>,
    %swap3A_26 = vector.shape_cast %swap3A_25 : vector<16xi32> to vector<16xi32>
    %swap3A_27 = vector.shape_cast %add3A_23 : vector<16xi32> to vector<16xi32>
    tpu.vector_store %arg6[%swap3A_24], %swap3A_27 {strides = array<i32>} : memref<128xi32, #tpu.memory_space<vmem>>, vector<16xi32>,
    %dma_start3A = arith.constant 0 : i32
    %dma_start3A_28 = arith.constant 0 : i32
    %dma_start3A_29 = tpu.memref_slice %arg7[%dma_start3A, %dma_start3A_28] : memref<128x128xf32, #tpu.memory_space<vmem>> -> memref<32x128xf32, #tpu.memory_space<vmem>>
    %dma_start3A_30 = arith.constant 0 : i32
    %dma_start3A_31 = tpu.memref_slice %arg6[%dma_start3A_30] : memref<128xi32, #tpu.memory_space<vmem>> -> memref<32xi32, #tpu.memory_space<vmem>>
    %dma_start3A_32 = arith.constant 0 : i32
    %dma_start3A_33 = arith.constant 0 : i32
    %dma_start3A_34 = tpu.memref_slice %arg2[%dma_start3A_32, %dma_start3A_33] : memref<819200x128xf32, #tpu.memory_space<hbm>> -> memref<819200x128xf32, #tpu.memory_space<hbm>>
    tpu.enqueue_indirect_dma source(%dma_start3A_34 : memref<819200x128xf32, #tpu.memory_space<hbm>>) target(%dma_start3A_29 : memref<32x128xf32, #tpu.memory_space<vmem>>) offsets(%dma_start3A_31 : memref<32xi32, #tpu.memory_space<vmem>>) semaphore(%arg8 : memref<!tpu.dma_semaphore, #tpu.memory_space<semaphore_mem>>)
    %add3A_35 = arith.constant 32 : i32
    %add3A_36 = arith.addi %mul3A_2, %add3A_35 : i32
    %add3A_37 = vector.broadcast %add3A_36 : i32 to vector<16xi32>
    %add3A_38 = arith.addi %add3A_37, %iota3A : vector<16xi32>
    %mul3A_39 = arith.constant 200 : i32
    %mul3A_40 = vector.broadcast %mul3A_39 : i32 to vector<16xi32>
    %mul3A_41 = arith.muli %add3A_38, %mul3A_40 : vector<16xi32>
    %add3A_42 = arith.addi %mul3A_41, %get3A_4 : vector<16xi32>
    %swap3A_43 = arith.constant 32 : index
    %swap3A_44 = tpu.vector_load %arg6[%swap3A_43] {strides = array<i32>} : memref<128xi32, #tpu.memory_space<vmem>>, vector<16xi32>,
    %swap3A_45 = vector.shape_cast %swap3A_44 : vector<16xi32> to vector<16xi32>
    %swap3A_46 = vector.shape_cast %add3A_42 : vector<16xi32> to vector<16xi32>
    tpu.vector_store %arg6[%swap3A_43], %swap3A_46 {strides = array<i32>} : memref<128xi32, #tpu.memory_space<vmem>>, vector<16xi32>,
    %add3A_47 = arith.constant 48 : i32
    %add3A_48 = arith.addi %mul3A_2, %add3A_47 : i32
    %add3A_49 = vector.broadcast %add3A_48 : i32 to vector<16xi32>
    %add3A_50 = arith.addi %add3A_49, %iota3A : vector<16xi32>
    %mul3A_51 = arith.constant 200 : i32
    %mul3A_52 = vector.broadcast %mul3A_51 : i32 to vector<16xi32>
    %mul3A_53 = arith.muli %add3A_50, %mul3A_52 : vector<16xi32>
    %add3A_54 = arith.addi %mul3A_53, %get3A_4 : vector<16xi32>
    %swap3A_55 = arith.constant 48 : index
    %swap3A_56 = tpu.vector_load %arg6[%swap3A_55] {strides = array<i32>} : memref<128xi32, #tpu.memory_space<vmem>>, vector<16xi32>,
    %swap3A_57 = vector.shape_cast %swap3A_56 : vector<16xi32> to vector<16xi32>
    %swap3A_58 = vector.shape_cast %add3A_54 : vector<16xi32> to vector<16xi32>
    tpu.vector_store %arg6[%swap3A_55], %swap3A_58 {strides = array<i32>} : memref<128xi32, #tpu.memory_space<vmem>>, vector<16xi32>,
    %dma_start3A_59 = arith.constant 32 : i32
    %dma_start3A_60 = arith.constant 0 : i32
    %dma_start3A_61 = tpu.memref_slice %arg7[%dma_start3A_59, %dma_start3A_60] : memref<128x128xf32, #tpu.memory_space<vmem>> -> memref<32x128xf32, #tpu.memory_space<vmem>>
    %dma_start3A_62 = arith.constant 32 : i32
    %dma_start3A_63 = tpu.memref_slice %arg6[%dma_start3A_62] : memref<128xi32, #tpu.memory_space<vmem>> -> memref<32xi32, #tpu.memory_space<vmem>>
    %dma_start3A_64 = arith.constant 0 : i32
    %dma_start3A_65 = arith.constant 0 : i32
    %dma_start3A_66 = tpu.memref_slice %arg2[%dma_start3A_64, %dma_start3A_65] : memref<819200x128xf32, #tpu.memory_space<hbm>> -> memref<819200x128xf32, #tpu.memory_space<hbm>>
    tpu.enqueue_indirect_dma source(%dma_start3A_66 : memref<819200x128xf32, #tpu.memory_space<hbm>>) target(%dma_start3A_61 : memref<32x128xf32, #tpu.memory_space<vmem>>) offsets(%dma_start3A_63 : memref<32xi32, #tpu.memory_space<vmem>>) semaphore(%arg8 : memref<!tpu.dma_semaphore, #tpu.memory_space<semaphore_mem>>)
    %add3A_67 = arith.constant 64 : i32
    %add3A_68 = arith.addi %mul3A_2, %add3A_67 : i32
    %add3A_69 = vector.broadcast %add3A_68 : i32 to vector<16xi32>
    %add3A_70 = arith.addi %add3A_69, %iota3A : vector<16xi32>
    %mul3A_71 = arith.constant 200 : i32
    %mul3A_72 = vector.broadcast %mul3A_71 : i32 to vector<16xi32>
    %mul3A_73 = arith.muli %add3A_70, %mul3A_72 : vector<16xi32>
    %add3A_74 = arith.addi %mul3A_73, %get3A_4 : vector<16xi32>
    %swap3A_75 = arith.constant 64 : index
    %swap3A_76 = tpu.vector_load %arg6[%swap3A_75] {strides = array<i32>} : memref<128xi32, #tpu.memory_space<vmem>>, vector<16xi32>,
    %swap3A_77 = vector.shape_cast %swap3A_76 : vector<16xi32> to vector<16xi32>
    %swap3A_78 = vector.shape_cast %add3A_74 : vector<16xi32> to vector<16xi32>
    tpu.vector_store %arg6[%swap3A_75], %swap3A_78 {strides = array<i32>} : memref<128xi32, #tpu.memory_space<vmem>>, vector<16xi32>,
    %add3A_79 = arith.constant 80 : i32
    %add3A_80 = arith.addi %mul3A_2, %add3A_79 : i32
    %add3A_81 = vector.broadcast %add3A_80 : i32 to vector<16xi32>
    %add3A_82 = arith.addi %add3A_81, %iota3A : vector<16xi32>
    %mul3A_83 = arith.constant 200 : i32
    %mul3A_84 = vector.broadcast %mul3A_83 : i32 to vector<16xi32>
    %mul3A_85 = arith.muli %add3A_82, %mul3A_84 : vector<16xi32>
    %add3A_86 = arith.addi %mul3A_85, %get3A_4 : vector<16xi32>
    %swap3A_87 = arith.constant 80 : index
    %swap3A_88 = tpu.vector_load %arg6[%swap3A_87] {strides = array<i32>} : memref<128xi32, #tpu.memory_space<vmem>>, vector<16xi32>,
    %swap3A_89 = vector.shape_cast %swap3A_88 : vector<16xi32> to vector<16xi32>
    %swap3A_90 = vector.shape_cast %add3A_86 : vector<16xi32> to vector<16xi32>
    tpu.vector_store %arg6[%swap3A_87], %swap3A_90 {strides = array<i32>} : memref<128xi32, #tpu.memory_space<vmem>>, vector<16xi32>,
    %dma_start3A_91 = arith.constant 64 : i32
    %dma_start3A_92 = arith.constant 0 : i32
    %dma_start3A_93 = tpu.memref_slice %arg7[%dma_start3A_91, %dma_start3A_92] : memref<128x128xf32, #tpu.memory_space<vmem>> -> memref<32x128xf32, #tpu.memory_space<vmem>>
    %dma_start3A_94 = arith.constant 64 : i32
    %dma_start3A_95 = tpu.memref_slice %arg6[%dma_start3A_94] : memref<128xi32, #tpu.memory_space<vmem>> -> memref<32xi32, #tpu.memory_space<vmem>>
    %dma_start3A_96 = arith.constant 0 : i32
    %dma_start3A_97 = arith.constant 0 : i32
    %dma_start3A_98 = tpu.memref_slice %arg2[%dma_start3A_96, %dma_start3A_97] : memref<819200x128xf32, #tpu.memory_space<hbm>> -> memref<819200x128xf32, #tpu.memory_space<hbm>>
    tpu.enqueue_indirect_dma source(%dma_start3A_98 : memref<819200x128xf32, #tpu.memory_space<hbm>>) target(%dma_start3A_93 : memref<32x128xf32, #tpu.memory_space<vmem>>) offsets(%dma_start3A_95 : memref<32xi32, #tpu.memory_space<vmem>>) semaphore(%arg8 : memref<!tpu.dma_semaphore, #tpu.memory_space<semaphore_mem>>)
    %add3A_99 = arith.constant 96 : i32
    %add3A_100 = arith.addi %mul3A_2, %add3A_99 : i32
    %add3A_101 = vector.broadcast %add3A_100 : i32 to vector<16xi32>
    %add3A_102 = arith.addi %add3A_101, %iota3A : vector<16xi32>
    %mul3A_103 = arith.constant 200 : i32
    %mul3A_104 = vector.broadcast %mul3A_103 : i32 to vector<16xi32>
    %mul3A_105 = arith.muli %add3A_102, %mul3A_104 : vector<16xi32>
    %add3A_106 = arith.addi %mul3A_105, %get3A_4 : vector<16xi32>
    %swap3A_107 = arith.constant 96 : index
    %swap3A_108 = tpu.vector_load %arg6[%swap3A_107] {strides = array<i32>} : memref<128xi32, #tpu.memory_space<vmem>>, vector<16xi32>,
    %swap3A_109 = vector.shape_cast %swap3A_108 : vector<16xi32> to vector<16xi32>
    %swap3A_110 = vector.shape_cast %add3A_106 : vector<16xi32> to vector<16xi32>
    tpu.vector_store %arg6[%swap3A_107], %swap3A_110 {strides = array<i32>} : memref<128xi32, #tpu.memory_space<vmem>>, vector<16xi32>,
    %add3A_111 = arith.constant 112 : i32
    %add3A_112 = arith.addi %mul3A_2, %add3A_111 : i32
    %add3A_113 = vector.broadcast %add3A_112 : i32 to vector<16xi32>
    %add3A_114 = arith.addi %add3A_113, %iota3A : vector<16xi32>
    %mul3A_115 = arith.constant 200 : i32
    %mul3A_116 = vector.broadcast %mul3A_115 : i32 to vector<16xi32>
    %mul3A_117 = arith.muli %add3A_114, %mul3A_116 : vector<16xi32>
    %add3A_118 = arith.addi %mul3A_117, %get3A_4 : vector<16xi32>
    %swap3A_119 = arith.constant 112 : index
    %swap3A_120 = tpu.vector_load %arg6[%swap3A_119] {strides = array<i32>} : memref<128xi32, #tpu.memory_space<vmem>>, vector<16xi32>,
    %swap3A_121 = vector.shape_cast %swap3A_120 : vector<16xi32> to vector<16xi32>
    %swap3A_122 = vector.shape_cast %add3A_118 : vector<16xi32> to vector<16xi32>
    tpu.vector_store %arg6[%swap3A_119], %swap3A_122 {strides = array<i32>} : memref<128xi32, #tpu.memory_space<vmem>>, vector<16xi32>,
    %dma_start3A_123 = arith.constant 96 : i32
    %dma_start3A_124 = arith.constant 0 : i32
    %dma_start3A_125 = tpu.memref_slice %arg7[%dma_start3A_123, %dma_start3A_124] : memref<128x128xf32, #tpu.memory_space<vmem>> -> memref<32x128xf32, #tpu.memory_space<vmem>>
    %dma_start3A_126 = arith.constant 96 : i32
    %dma_start3A_127 = tpu.memref_slice %arg6[%dma_start3A_126] : memref<128xi32, #tpu.memory_space<vmem>> -> memref<32xi32, #tpu.memory_space<vmem>>
    %dma_start3A_128 = arith.constant 0 : i32
    %dma_start3A_129 = arith.constant 0 : i32
    %dma_start3A_130 = tpu.memref_slice %arg2[%dma_start3A_128, %dma_start3A_129] : memref<819200x128xf32, #tpu.memory_space<hbm>> -> memref<819200x128xf32, #tpu.memory_space<hbm>>
    tpu.enqueue_indirect_dma source(%dma_start3A_130 : memref<819200x128xf32, #tpu.memory_space<hbm>>) target(%dma_start3A_125 : memref<32x128xf32, #tpu.memory_space<vmem>>) offsets(%dma_start3A_127 : memref<32xi32, #tpu.memory_space<vmem>>) semaphore(%arg8 : memref<!tpu.dma_semaphore, #tpu.memory_space<semaphore_mem>>)
    %dma_wait3A = arith.constant 0 : i32
    %dma_wait3A_131 = arith.constant 0 : i32
    %dma_wait3A_132 = tpu.memref_slice %arg7[%dma_wait3A, %dma_wait3A_131] : memref<128x128xf32, #tpu.memory_space<vmem>> -> memref<32x128xf32, #tpu.memory_space<vmem>>
    %dma_wait3A_133 = arith.constant 0 : i32
    %dma_wait3A_134 = tpu.memref_slice %arg6[%dma_wait3A_133] : memref<128xi32, #tpu.memory_space<vmem>> -> memref<32xi32, #tpu.memory_space<vmem>>
    %dma_wait3A_135 = arith.constant 0 : i32
    %dma_wait3A_136 = arith.constant 0 : i32
    %dma_wait3A_137 = tpu.memref_slice %arg2[%dma_wait3A_135, %dma_wait3A_136] : memref<819200x128xf32, #tpu.memory_space<hbm>> -> memref<819200x128xf32, #tpu.memory_space<hbm>>
    tpu.wait_indirect_dma semaphore(%arg8 : memref<!tpu.dma_semaphore, #tpu.memory_space<semaphore_mem>>) src(%dma_wait3A_137 : memref<819200x128xf32, #tpu.memory_space<hbm>>) dst(%dma_wait3A_132 : memref<32x128xf32, #tpu.memory_space<vmem>>)
    %add3A_138 = arith.constant 0 : i32
    %add3A_139 = arith.addi %mul3A_2, %add3A_138 : i32
    %dma_start3A_140 = arith.constant 0 : i32
    %dma_start3A_141 = arith.constant 0 : i32
    %dma_start3A_142 = tpu.memref_slice %arg7[%dma_start3A_140, %dma_start3A_141] : memref<128x128xf32, #tpu.memory_space<vmem>> -> memref<32x128xf32, #tpu.memory_space<vmem>>
    %dma_start3A_143 = arith.constant 0 : i32
    %dma_start3A_144 = tpu.memref_slice %arg4[%add3A_139, %dma_start3A_143] : memref<4096x128xf32, #tpu.memory_space<hbm>> -> memref<32x128xf32, #tpu.memory_space<hbm>>
    %dma_start3A_145 = arith.constant 0 : i32
    %dma_start3A_146 = tpu.memref_slice %arg4[%add3A_139, %dma_start3A_145] : memref<4096x128xf32, #tpu.memory_space<hbm>> -> memref<32x128xf32, #tpu.memory_space<hbm>>
    %dma_start3A_147 = arith.constant 0 : i32
    %dma_start3A_148 = arith.constant 0 : i32
    %dma_start3A_149 = tpu.memref_slice %arg7[%dma_start3A_147, %dma_start3A_148] : memref<128x128xf32, #tpu.memory_space<vmem>> -> memref<32x128xf32, #tpu.memory_space<vmem>>
    tpu.enqueue_dma source(%dma_start3A_149 : memref<32x128xf32, #tpu.memory_space<vmem>>) target(%dma_start3A_146 : memref<32x128xf32, #tpu.memory_space<hbm>>) target_semaphore(%arg9 : memref<!tpu.dma_semaphore, #tpu.memory_space<semaphore_mem>>)
    %dma_wait3A_150 = arith.constant 32 : i32
    %dma_wait3A_151 = arith.constant 0 : i32
    %dma_wait3A_152 = tpu.memref_slice %arg7[%dma_wait3A_150, %dma_wait3A_151] : memref<128x128xf32, #tpu.memory_space<vmem>> -> memref<32x128xf32, #tpu.memory_space<vmem>>
    %dma_wait3A_153 = arith.constant 32 : i32
    %dma_wait3A_154 = tpu.memref_slice %arg6[%dma_wait3A_153] : memref<128xi32, #tpu.memory_space<vmem>> -> memref<32xi32, #tpu.memory_space<vmem>>
    %dma_wait3A_155 = arith.constant 0 : i32
    %dma_wait3A_156 = arith.constant 0 : i32
    %dma_wait3A_157 = tpu.memref_slice %arg2[%dma_wait3A_155, %dma_wait3A_156] : memref<819200x128xf32, #tpu.memory_space<hbm>> -> memref<819200x128xf32, #tpu.memory_space<hbm>>
    tpu.wait_indirect_dma semaphore(%arg8 : memref<!tpu.dma_semaphore, #tpu.memory_space<semaphore_mem>>) src(%dma_wait3A_157 : memref<819200x128xf32, #tpu.memory_space<hbm>>) dst(%dma_wait3A_152 : memref<32x128xf32, #tpu.memory_space<vmem>>)
    %add3A_158 = arith.constant 32 : i32
    %add3A_159 = arith.addi %mul3A_2, %add3A_158 : i32
    %dma_start3A_160 = arith.constant 32 : i32
    %dma_start3A_161 = arith.constant 0 : i32
    %dma_start3A_162 = tpu.memref_slice %arg7[%dma_start3A_160, %dma_start3A_161] : memref<128x128xf32, #tpu.memory_space<vmem>> -> memref<32x128xf32, #tpu.memory_space<vmem>>
    %dma_start3A_163 = arith.constant 0 : i32
    %dma_start3A_164 = tpu.memref_slice %arg4[%add3A_159, %dma_start3A_163] : memref<4096x128xf32, #tpu.memory_space<hbm>> -> memref<32x128xf32, #tpu.memory_space<hbm>>
    %dma_start3A_165 = arith.constant 0 : i32
    %dma_start3A_166 = tpu.memref_slice %arg4[%add3A_159, %dma_start3A_165] : memref<4096x128xf32, #tpu.memory_space<hbm>> -> memref<32x128xf32, #tpu.memory_space<hbm>>
    %dma_start3A_167 = arith.constant 32 : i32
    %dma_start3A_168 = arith.constant 0 : i32
    %dma_start3A_169 = tpu.memref_slice %arg7[%dma_start3A_167, %dma_start3A_168] : memref<128x128xf32, #tpu.memory_space<vmem>> -> memref<32x128xf32, #tpu.memory_space<vmem>>
    tpu.enqueue_dma source(%dma_start3A_169 : memref<32x128xf32, #tpu.memory_space<vmem>>) target(%dma_start3A_166 : memref<32x128xf32, #tpu.memory_space<hbm>>) target_semaphore(%arg9 : memref<!tpu.dma_semaphore, #tpu.memory_space<semaphore_mem>>)
    %dma_wait3A_170 = arith.constant 64 : i32
    %dma_wait3A_171 = arith.constant 0 : i32
    %dma_wait3A_172 = tpu.memref_slice %arg7[%dma_wait3A_170, %dma_wait3A_171] : memref<128x128xf32, #tpu.memory_space<vmem>> -> memref<32x128xf32, #tpu.memory_space<vmem>>
    %dma_wait3A_173 = arith.constant 64 : i32
    %dma_wait3A_174 = tpu.memref_slice %arg6[%dma_wait3A_173] : memref<128xi32, #tpu.memory_space<vmem>> -> memref<32xi32, #tpu.memory_space<vmem>>
    %dma_wait3A_175 = arith.constant 0 : i32
    %dma_wait3A_176 = arith.constant 0 : i32
    %dma_wait3A_177 = tpu.memref_slice %arg2[%dma_wait3A_175, %dma_wait3A_176] : memref<819200x128xf32, #tpu.memory_space<hbm>> -> memref<819200x128xf32, #tpu.memory_space<hbm>>
    tpu.wait_indirect_dma semaphore(%arg8 : memref<!tpu.dma_semaphore, #tpu.memory_space<semaphore_mem>>) src(%dma_wait3A_177 : memref<819200x128xf32, #tpu.memory_space<hbm>>) dst(%dma_wait3A_172 : memref<32x128xf32, #tpu.memory_space<vmem>>)
    %add3A_178 = arith.constant 64 : i32
    %add3A_179 = arith.addi %mul3A_2, %add3A_178 : i32
    %dma_start3A_180 = arith.constant 64 : i32
    %dma_start3A_181 = arith.constant 0 : i32
    %dma_start3A_182 = tpu.memref_slice %arg7[%dma_start3A_180, %dma_start3A_181] : memref<128x128xf32, #tpu.memory_space<vmem>> -> memref<32x128xf32, #tpu.memory_space<vmem>>
    %dma_start3A_183 = arith.constant 0 : i32
    %dma_start3A_184 = tpu.memref_slice %arg4[%add3A_179, %dma_start3A_183] : memref<4096x128xf32, #tpu.memory_space<hbm>> -> memref<32x128xf32, #tpu.memory_space<hbm>>
    %dma_start3A_185 = arith.constant 0 : i32
    %dma_start3A_186 = tpu.memref_slice %arg4[%add3A_179, %dma_start3A_185] : memref<4096x128xf32, #tpu.memory_space<hbm>> -> memref<32x128xf32, #tpu.memory_space<hbm>>
    %dma_start3A_187 = arith.constant 64 : i32
    %dma_start3A_188 = arith.constant 0 : i32
    %dma_start3A_189 = tpu.memref_slice %arg7[%dma_start3A_187, %dma_start3A_188] : memref<128x128xf32, #tpu.memory_space<vmem>> -> memref<32x128xf32, #tpu.memory_space<vmem>>
    tpu.enqueue_dma source(%dma_start3A_189 : memref<32x128xf32, #tpu.memory_space<vmem>>) target(%dma_start3A_186 : memref<32x128xf32, #tpu.memory_space<hbm>>) target_semaphore(%arg9 : memref<!tpu.dma_semaphore, #tpu.memory_space<semaphore_mem>>)
    %dma_wait3A_190 = arith.constant 96 : i32
    %dma_wait3A_191 = arith.constant 0 : i32
    %dma_wait3A_192 = tpu.memref_slice %arg7[%dma_wait3A_190, %dma_wait3A_191] : memref<128x128xf32, #tpu.memory_space<vmem>> -> memref<32x128xf32, #tpu.memory_space<vmem>>
    %dma_wait3A_193 = arith.constant 96 : i32
    %dma_wait3A_194 = tpu.memref_slice %arg6[%dma_wait3A_193] : memref<128xi32, #tpu.memory_space<vmem>> -> memref<32xi32, #tpu.memory_space<vmem>>
    %dma_wait3A_195 = arith.constant 0 : i32
    %dma_wait3A_196 = arith.constant 0 : i32
    %dma_wait3A_197 = tpu.memref_slice %arg2[%dma_wait3A_195, %dma_wait3A_196] : memref<819200x128xf32, #tpu.memory_space<hbm>> -> memref<819200x128xf32, #tpu.memory_space<hbm>>
    tpu.wait_indirect_dma semaphore(%arg8 : memref<!tpu.dma_semaphore, #tpu.memory_space<semaphore_mem>>) src(%dma_wait3A_197 : memref<819200x128xf32, #tpu.memory_space<hbm>>) dst(%dma_wait3A_192 : memref<32x128xf32, #tpu.memory_space<vmem>>)
    %add3A_198 = arith.constant 96 : i32
    %add3A_199 = arith.addi %mul3A_2, %add3A_198 : i32
    %dma_start3A_200 = arith.constant 96 : i32
    %dma_start3A_201 = arith.constant 0 : i32
    %dma_start3A_202 = tpu.memref_slice %arg7[%dma_start3A_200, %dma_start3A_201] : memref<128x128xf32, #tpu.memory_space<vmem>> -> memref<32x128xf32, #tpu.memory_space<vmem>>
    %dma_start3A_203 = arith.constant 0 : i32
    %dma_start3A_204 = tpu.memref_slice %arg4[%add3A_199, %dma_start3A_203] : memref<4096x128xf32, #tpu.memory_space<hbm>> -> memref<32x128xf32, #tpu.memory_space<hbm>>
    %dma_start3A_205 = arith.constant 0 : i32
    %dma_start3A_206 = tpu.memref_slice %arg4[%add3A_199, %dma_start3A_205] : memref<4096x128xf32, #tpu.memory_space<hbm>> -> memref<32x128xf32, #tpu.memory_space<hbm>>
    %dma_start3A_207 = arith.constant 96 : i32
    %dma_start3A_208 = arith.constant 0 : i32
    %dma_start3A_209 = tpu.memref_slice %arg7[%dma_start3A_207, %dma_start3A_208] : memref<128x128xf32, #tpu.memory_space<vmem>> -> memref<32x128xf32, #tpu.memory_space<vmem>>
    tpu.enqueue_dma source(%dma_start3A_209 : memref<32x128xf32, #tpu.memory_space<vmem>>) target(%dma_start3A_206 : memref<32x128xf32, #tpu.memory_space<hbm>>) target_semaphore(%arg9 : memref<!tpu.dma_semaphore, #tpu.memory_space<semaphore_mem>>)
    %dma_wait3A_210 = arith.constant 0 : i32
    %dma_wait3A_211 = arith.constant 0 : i32
    %dma_wait3A_212 = tpu.memref_slice %arg7[%dma_wait3A_210, %dma_wait3A_211] : memref<128x128xf32, #tpu.memory_space<vmem>> -> memref<32x128xf32, #tpu.memory_space<vmem>>
    %dma_wait3A_213 = arith.constant 0 : i32
    %dma_wait3A_214 = tpu.memref_slice %arg4[%add3A_139, %dma_wait3A_213] : memref<4096x128xf32, #tpu.memory_space<hbm>> -> memref<32x128xf32, #tpu.memory_space<hbm>>
    %dma_wait3A_215 = arith.constant 0 : i32
    %dma_wait3A_216 = tpu.memref_slice %arg4[%add3A_139, %dma_wait3A_215] : memref<4096x128xf32, #tpu.memory_space<hbm>> -> memref<32x128xf32, #tpu.memory_space<hbm>>
    %dma_wait3A_217 = arith.constant 0 : i32
    %dma_wait3A_218 = arith.constant 0 : i32
    %dma_wait3A_219 = tpu.memref_slice %arg7[%dma_wait3A_217, %dma_wait3A_218] : memref<128x128xf32, #tpu.memory_space<vmem>> -> memref<32x128xf32, #tpu.memory_space<vmem>>
    tpu.wait_dma2 semaphore(%arg9 : memref<!tpu.dma_semaphore, #tpu.memory_space<semaphore_mem>>) src(%dma_wait3A_219 : memref<32x128xf32, #tpu.memory_space<vmem>>) dst(%dma_wait3A_216 : memref<32x128xf32, #tpu.memory_space<hbm>>)
    %dma_wait3A_220 = arith.constant 32 : i32
    %dma_wait3A_221 = arith.constant 0 : i32
    %dma_wait3A_222 = tpu.memref_slice %arg7[%dma_wait3A_220, %dma_wait3A_221] : memref<128x128xf32, #tpu.memory_space<vmem>> -> memref<32x128xf32, #tpu.memory_space<vmem>>
    %dma_wait3A_223 = arith.constant 0 : i32
    %dma_wait3A_224 = tpu.memref_slice %arg4[%add3A_159, %dma_wait3A_223] : memref<4096x128xf32, #tpu.memory_space<hbm>> -> memref<32x128xf32, #tpu.memory_space<hbm>>
    %dma_wait3A_225 = arith.constant 0 : i32
    %dma_wait3A_226 = tpu.memref_slice %arg4[%add3A_159, %dma_wait3A_225] : memref<4096x128xf32, #tpu.memory_space<hbm>> -> memref<32x128xf32, #tpu.memory_space<hbm>>
    %dma_wait3A_227 = arith.constant 32 : i32
    %dma_wait3A_228 = arith.constant 0 : i32
    %dma_wait3A_229 = tpu.memref_slice %arg7[%dma_wait3A_227, %dma_wait3A_228] : memref<128x128xf32, #tpu.memory_space<vmem>> -> memref<32x128xf32, #tpu.memory_space<vmem>>
    tpu.wait_dma2 semaphore(%arg9 : memref<!tpu.dma_semaphore, #tpu.memory_space<semaphore_mem>>) src(%dma_wait3A_229 : memref<32x128xf32, #tpu.memory_space<vmem>>) dst(%dma_wait3A_226 : memref<32x128xf32, #tpu.memory_space<hbm>>)
    %dma_wait3A_230 = arith.constant 64 : i32
    %dma_wait3A_231 = arith.constant 0 : i32
    %dma_wait3A_232 = tpu.memref_slice %arg7[%dma_wait3A_230, %dma_wait3A_231] : memref<128x128xf32, #tpu.memory_space<vmem>> -> memref<32x128xf32, #tpu.memory_space<vmem>>
    %dma_wait3A_233 = arith.constant 0 : i32
    %dma_wait3A_234 = tpu.memref_slice %arg4[%add3A_179, %dma_wait3A_233] : memref<4096x128xf32, #tpu.memory_space<hbm>> -> memref<32x128xf32, #tpu.memory_space<hbm>>
    %dma_wait3A_235 = arith.constant 0 : i32
    %dma_wait3A_236 = tpu.memref_slice %arg4[%add3A_179, %dma_wait3A_235] : memref<4096x128xf32, #tpu.memory_space<hbm>> -> memref<32x128xf32, #tpu.memory_space<hbm>>
    %dma_wait3A_237 = arith.constant 64 : i32
    %dma_wait3A_238 = arith.constant 0 : i32
    %dma_wait3A_239 = tpu.memref_slice %arg7[%dma_wait3A_237, %dma_wait3A_238] : memref<128x128xf32, #tpu.memory_space<vmem>> -> memref<32x128xf32, #tpu.memory_space<vmem>>
    tpu.wait_dma2 semaphore(%arg9 : memref<!tpu.dma_semaphore, #tpu.memory_space<semaphore_mem>>) src(%dma_wait3A_239 : memref<32x128xf32, #tpu.memory_space<vmem>>) dst(%dma_wait3A_236 : memref<32x128xf32, #tpu.memory_space<hbm>>)
    %dma_wait3A_240 = arith.constant 96 : i32
    %dma_wait3A_241 = arith.constant 0 : i32
    %dma_wait3A_242 = tpu.memref_slice %arg7[%dma_wait3A_240, %dma_wait3A_241] : memref<128x128xf32, #tpu.memory_space<vmem>> -> memref<32x128xf32, #tpu.memory_space<vmem>>
    %dma_wait3A_243 = arith.constant 0 : i32
    %dma_wait3A_244 = tpu.memref_slice %arg4[%add3A_199, %dma_wait3A_243] : memref<4096x128xf32, #tpu.memory_space<hbm>> -> memref<32x128xf32, #tpu.memory_space<hbm>>
    %dma_wait3A_245 = arith.constant 0 : i32
    %dma_wait3A_246 = tpu.memref_slice %arg4[%add3A_199, %dma_wait3A_245] : memref<4096x128xf32, #tpu.memory_space<hbm>> -> memref<32x128xf32, #tpu.memory_space<hbm>>
    %dma_wait3A_247 = arith.constant 96 : i32
    %dma_wait3A_248 = arith.constant 0 : i32
    %dma_wait3A_249 = tpu.memref_slice %arg7[%dma_wait3A_247, %dma_wait3A_248] : memref<128x128xf32, #tpu.memory_space<vmem>> -> memref<32x128xf32, #tpu.memory_space<vmem>>
    tpu.wait_dma2 semaphore(%arg9 : memref<!tpu.dma_semaphore, #tpu.memory_space<semaphore_mem>>) src(%dma_wait3A_249 : memref<32x128xf32, #tpu.memory_space<vmem>>) dst(%dma_wait3A_246 : memref<32x128xf32, #tpu.memory_space<hbm>>)
    return
  }
}

</mosaic_0001>

<sc_bundles>
// kernel: kernel.3.cloned.1.call-start
scs
__scs_entry_jumppad:
0x0: {  	(pc) =	sbr.rel $0x88, $3  }
0x1: {  	(tag) =	ssettag $0x0;
	lr =	simm.s32 $0x1  }
0x2: {  	[smem:$0x3F9F] =	sst lr;
	_ =	strace $0xD0000000  }
0x3: {  	_ = 	snop  }
0x4: {  	_ = 	snop  }
0x5: {  	_ = 	snop  }
0x6: {  	_ = 	snop  }
0x7: {  	_ = 	snop  }
__scs_overlays_trampoline_lowered:
0x8: {  	[smem:$0x3FAE] =	sst s0  }
0x9: {  	[smem:$0x3FAF] =	sst s1  }
0xa: {  	[smem:$0x3FB0] =	sst s2  }
0xb: {  	[smem:$0x3FB1] =	sst s3  }
0xc: {  	[smem:$0x3FB2] =	sst s4  }
0xd: {  	[smem:$0x3FB3] =	sst s5  }
0xe: {  	[smem:$0x3FB4] =	sst s6  }
0xf: {  	[smem:$0x3FB5] =	sst s7  }
0x10: {  	[smem:$0x3FB6] =	sst s8  }
0x11: {  	[smem:$0x3FB7] =	sst s9;
	s0 =	simm.s32 @!p0 $0x0  }
0x12: {  	s1 =	sld [smem:$0x3F9D];
	s0 =	simm.s32 @p0 $0x1  }
0x13: {  	[smem:$0x3FB8] =	sst s0;
	s0 =	simm.s32 @!p1 $0x0  }
0x14: {  	s2 =	sld [smem:$0x3F9C];
	s0 =	simm.s32 @p1 $0x1  }
0x15: {  	[smem:$0x3FB9] =	sst s0;
	s0 =	simm.s32 @!p2 $0x0  }
0x16: {  	s3 =	sld [smem:$0x3FDB];
	s0 =	simm.s32 @p2 $0x1  }
0x17: {  	s4 =	simm.s32 $0x1BF5;
	[smem:$0x3FBB] =	sst s0  }
0x18: {  	s0 =	sld [smem:$0x3F9E];
	_ =	swait.ge [sflag:s4], $0x0  }
0x19: {  	s7 =	sld [smem:$0x3F9F]  }
0x1a: {  	s8 =	sadd.s32 $0xFFFFE003, lr  }
0x1b: {  	s9 =	sadd.s32 $0xFFFFFEF7, lr;
	s5 =	simm.s32 $0xFFFFFFFF;
	p2 =	slt.u32 s8, $0xFFFFF086  }
0x1c: {  	p1 =	slt.u32 s9, $0xF7A;
	s5 =	simm.s32 @!p2 $0x0  }
0x1d: {  	s5 =	simm.s32 @p1 $0x1;
	p0 =	seq.s32 s7, s2  }
0x1e: {  	s7 =	smul.u32 @!p0 $0xF7A, s2;
	p2 =	seq.s32 @!p0 s5, $0x0  }
0x1f: {  	s9 =	smul.u32 $0xF7A, s1;
	s8 =	simm.s32 @!p0 $0x1BF5;
	p2 =	por !p2, p0  }
0x20: {  	[sflag:s8] =	ssyncset.s32 @!p0 $0xFFFFF086;
	s6 =	sadd.s32 @!p0 s3, s7;
	s7 =	simm.s32 @!p0 $0x108  }
0x21: {  	s3 =	sadd.s32 s3, s9;
	s6 =	sadd.s32 @!p0 $0x88, s6;
	s7 =	simm.s32 @p2 $0x1082  }
0x22: {  	[simem:s7], [sflag:s8] =	dma.local @!p0 [hbm:s6], $0xF7A  }
0x23: {  	s9 =	sor.u32 $0xD0000000, s2;
	s6 =	simm.s32 $0x108;
	_ =	swait.ge @!p0 [sflag:s8], $0x0  }
0x24: {  	s3 =	sadd.s32 $0x88, s3;
	s6 =	simm.s32 @!p1 $0x1082;
	[sflag:s4] =	ssyncset.s32 $0xFFFFF086  }
0x25: {  	[simem:s6], [sflag:s4] =	dma.local [hbm:s3], $0xF7A  }
0x26: {  	[smem:$0x3F9F] =	sst s1;
	(tag) =	ssettag s2;
	_ =	strace s9  }
0x27: {  	s1 =	sld [smem:$0x3FAF]  }
0x28: {  	s2 =	sld [smem:$0x3FB0]  }
0x29: {  	s4 =	sld [smem:$0x3FB2]  }
0x2a: {  	p0 =	seq.s32 s5, $0x0;
	s5 =	sld [smem:$0x3FB3]  }
0x2b: {  	s6 =	sld [smem:$0x3FB4]  }
0x2c: {  	s7 =	sld [smem:$0x3FB5]  }
0x2d: {  	s3 =	simm.s32 $0x108;
	s8 =	sld [smem:$0x3FB6]  }
0x2e: {  	s3 =	simm.s32 @!p0 $0x1082;
	s9 =	sld [smem:$0x3FB7]  }
0x2f: {  	lr =	sadd.s32 s0, s3;
	s0 =	sld [smem:$0x3FAE]  }
0x30: {  	s3 =	sld [smem:$0x3FB1]  }
0x31: {  	[smem:$0x3FBA] =	sst s10  }
0x32: {  	s10 =	sld [smem:$0x3FB8];
	_ =	sdelay $0x3  }
0x33: {  	p0 =	seq.s32 s10, $0x1;
	s10 =	sld [smem:$0x3FBA];
	_ =	sdelay $0x3  }
0x34: {  	[smem:$0x3FBA] =	sst s10  }
0x35: {  	s10 =	sld [smem:$0x3FB9];
	_ =	sdelay $0x3  }
0x36: {  	p1 =	seq.s32 s10, $0x1;
	s10 =	sld [smem:$0x3FBA];
	_ =	sdelay $0x3  }
0x37: {  	[smem:$0x3FBA] =	sst s10  }
0x38: {  	s10 =	sld [smem:$0x3FBB]  }
0x39: {  	_ = 	snop;
	(pc) =	sbr.ind lr, $3  }
0x3a: {  	_ = 	snop  }
0x3b: {  	_ = 	snop  }
0x3c: {  	p2 =	seq.s32 s10, $0x1;
	s10 =	sld [smem:$0x3FBA]  }
0x3d: {  	_ =	shalt  }
0x3e: {  	_ =	shalt  }
0x3f: {  	_ =	shalt  }
0x40: {  	_ =	shalt  }
0x41: {  	_ =	shalt  }
0x42: {  	_ =	shalt  }
0x43: {  	_ =	shalt  }
0x44: {  	_ =	shalt  }
0x45: {  	_ =	shalt  }
0x46: {  	_ =	shalt  }
0x47: {  	_ =	shalt  }
0x48: {  	_ =	shalt  }
0x49: {  	_ =	shalt  }
0x4a: {  	_ =	shalt  }
0x4b: {  	_ =	shalt  }
0x4c: {  	_ =	shalt  }
0x4d: {  	_ =	shalt  }
0x4e: {  	_ =	shalt  }
0x4f: {  	_ =	shalt  }
0x50: {  	_ =	shalt  }
0x51: {  	_ =	shalt  }
0x52: {  	_ =	shalt  }
0x53: {  	_ =	shalt  }
0x54: {  	_ =	shalt  }
0x55: {  	_ =	shalt  }
0x56: {  	_ =	shalt  }
0x57: {  	_ =	shalt  }
0x58: {  	_ =	shalt  }
0x59: {  	_ =	shalt  }
0x5a: {  	_ =	shalt  }
0x5b: {  	_ =	shalt  }
0x5c: {  	_ =	shalt  }
0x5d: {  	_ =	shalt  }
0x5e: {  	_ =	shalt  }
0x5f: {  	_ =	shalt  }
0x60: {  	_ =	shalt  }
0x61: {  	_ =	shalt  }
0x62: {  	_ =	shalt  }
0x63: {  	_ =	shalt  }
0x64: {  	_ =	shalt  }
0x65: {  	_ =	shalt  }
0x66: {  	_ =	shalt  }
0x67: {  	_ =	shalt  }
0x68: {  	_ =	shalt  }
0x69: {  	_ =	shalt  }
0x6a: {  	_ =	shalt  }
0x6b: {  	_ =	shalt  }
0x6c: {  	_ =	shalt  }
0x6d: {  	_ =	shalt  }
0x6e: {  	_ =	shalt  }
0x6f: {  	_ =	shalt  }
0x70: {  	_ =	shalt  }
0x71: {  	_ =	shalt  }
0x72: {  	_ =	shalt  }
0x73: {  	_ =	shalt  }
0x74: {  	_ =	shalt  }
0x75: {  	_ =	shalt  }
0x76: {  	_ =	shalt  }
0x77: {  	_ =	shalt  }
0x78: {  	_ =	shalt  }
0x79: {  	_ =	shalt  }
0x7a: {  	_ =	shalt  }
0x7b: {  	_ =	shalt  }
0x7c: {  	_ =	shalt  }
0x7d: {  	_ =	shalt  }
0x7e: {  	_ =	shalt  }
0x7f: {  	_ =	shalt  }
0x80: {  	_ =	shalt  }
0x81: {  	_ =	shalt  }
0x82: {  	_ =	shalt  }
0x83: {  	_ =	shalt  }
0x84: {  	_ =	shalt  }
0x85: {  	_ =	shalt  }
0x86: {  	_ =	shalt  }
0x87: {  	_ =	shalt  }
.Lfunc_end0:
.L_simem_size_0:
called_computation_lowered:
.L_overlay_start_0:
0x88: {  	s2 =	sld [smem:$0x3FD9]  }
0x89: {  	s3 =	sld [smem:$0x3FFE];
	_ =	sdelay $0x1  }
0x8a: {  	s1 =	srdreg.scid  }
0x8b: {  	s0 =	sand.u32 $0x1, s1  }
0x8c: {  	s17 =	sshll.u32 s0, $0xA;
	s2 =	sadd.s32 s3, s2  }
0x8d: {  	s2 =	sadd.s32 s2, s17  }
0x8e: {  	[smem:$0x3FC6] =	sst s2  }
0x8f: {  	_ = 	snop  }
0x90: {  	s2 =	sld [smem:$0x3FC9]  }
0x91: {  	s18 =	sld [smem:$0x3FD0];
	(tm) =	ssettm $0x1  }
0x92: {  	s4 =	sld [smem:$0x3FFB];
	_ =	sdelay $0x3  }
0x93: {  	_ =	strace s4  }
0x94: {  	s4 =	sld [smem:$0x3FFC];
	_ =	sdelay $0x3  }
0x95: {  	_ =	strace s4  }
0x96: {  	s4 =	sld [smem:$0x3FFD];
	_ =	sdelay $0x3  }
0x97: {  	_ =	strace s4  }
0x98: {  	_ =	strace $0x8FFFFFFF  }
0x99: {  	s19 =	sld [smem:$0x3FDB];
	_ =	sdelay $0x1  }
0x9a: {  	s5 =	simm.s32 $_scs_section_size  }
0x9b: {  	s6 =	simm.s32 $_size__tile_overlayer_lowered;
	s7 =	simm.s32 $_tile_overlayer_lowered  }
0x9c: {  	s22 =	simm.s32 $0x1BFF;
	s21 =	sshll.u32 s7, $0x1;
	s4 =	sadd.s32 s5, s19  }
0x9d: {  	s8 =	simm.s32 $0x0;
	s20 =	sshll.u32 s6, $0x1;
	s6 =	sadd.s32 s21, s4  }
0x9e: {  	[timem:s8], [sflag:s22] =	dma.local [hbm:s6], s20  }
0x9f: {  	_ =	swait.ge [sflag:s22], s20  }
0xa0: {  	s5 =	ssub.s32 $0x0, s20;
	[sflag:s22] =	ssyncset.done $0x0  }
0xa1: {  	[sflag:s22] =	ssyncadd.s32 s5;
	_ =	sdelay $0x1  }
0xa2: {  	s23 =	simm.s32 $0x1B8B  }
0xa3: {  	_ =	swait.ge [sflag:s23], $0x1  }
0xa4: {  	[sflag:s23] =	ssyncset.done $0x0  }
0xa5: {  	s25 =	simm.s32 $0x1B8E;
	s24 =	sld [smem:$0x3FFE];
	[sflag:s23] =	ssyncadd.s32 $0xFFFFFFFF  }
0xa6: {  	s26 =	simm.s32 $execute0_lowered;
	[smem:$0x3FD2] =	sst s25  }
0xa7: {  	s6 =	sshll.u32 s26, $0x1;
	_ =	strace $0x80000046;
	[dreg:$0x1] =	wrdreg $0xFFFFFFFF  }
0xa8: {  	s28 =	simm.s32 $_size_execute0_lowered;
	s4 =	sadd.s32 s4, s6;
	[dreg:$0x0] =	wrdreg $0x0  }
0xa9: {  	s6 =	sshll.u32 s28, $0x1;
	[dreg:$0x2] =	wrdreg s4  }
0xaa: {  	[dreg:$0x3] =	wrdreg s6  }
0xab: {  	[dreg:$0x4] =	wrdreg $0xC0  }
0xac: {  	_ =	task [dreg:s8], $0x5FFFF  }
0xad: {  	[dreg:$0x1] =	wrdreg $0xFFFFFFFF  }
0xae: {  	[dreg:$0x0] =	wrdreg $0x60  }
0xaf: {  	[dreg:$0x2] =	wrdreg s2  }
0xb0: {  	[dreg:$0x3] =	wrdreg s24  }
0xb1: {  	[dreg:$0x4] =	wrdreg s18  }
0xb2: {  	[dreg:$0x5] =	wrdreg $0x9  }
0xb3: {  	_ =	task.clear_ibuf [dreg:s8], $0x6FFFF;
	_ =	strace $0x90000046  }
0xb4: {  	s29 =	simm.s32 $0x9;
	_ =	strace $0x80000048  }
0xb5: {  	_ =	swait.ge [sflag:s29], $0x1  }
0xb6: {  	[sflag:s29] =	ssyncadd.s32 $0xFFFFFFFF  }
0xb7: {  	_ =	strace $0x90000048  }
0xb8: {  	_ =	sfence  }
0xb9: {  	s30 =	sld [smem:$0x0];
	_ =	sdelay $0x2  }
0xba: {  	s31 =	sshll.u32 s1, $0xD;
	s1 =	sshrl.u32 s1, $0x2  }
0xbb: {  	s3 =	sand.u32 $0x4000, s31;
	s1 =	sadd.s32 s1, s30  }
0xbc: {  	s0 =	sor.u32 s3, s0;
	s1 =	sshll.u32 s1, $0x11  }
0xbd: {  	s0 =	sor.u32 s1, s0  }
0xbe: {  	s0 =	sadd.s32 $0x8F2B, s0  }
0xbf: {  	[sflag:s0] =	ssyncadd.remote.s32 $0x1  }
0xc0: {  	_ =	sfence.sel $0xFFFF  }
0xc1: {  	[dreg:$0x0] =	wrdreg $0xFFFFFFFF;
	(pc) =	sbr.abs _section_cstart, $3  }
0xc2: {  	[dreg:$0x1] =	wrdreg $0xFFFFFFFF  }
0xc3: {  	_ =	task.clear_ibuf [dreg:s8], $0x2FFFF;
	_ =	strace $0x9FFFFFFF  }
0xc4: {  	(tm) =	ssettm $0x7FFFFFFF  }
0xc5: {  	_ =	shalt  }
tec
execute0_lowered:
.L_overlay_start_1:
0x0: {  	(tag) =	ssettag $0x1  }
0x1: {  	s2 =	rddreg [dreg:$0x0]  }
0x2: {  	s4 =	rddreg [dreg:$0x1]  }
0x3: {  	s19 =	rddreg [dreg:$0x2]  }
0x4: {  	s0 =	rddreg [dreg:$0x3];
	s3 =	simm.s32 $0x0;
	s5 =	srdreg.scid  }
0x5: {  	s1 =	stileid.u32;
	[smem:$0x7FF] =	sst s3;
	s21 =	sand.u32 $0x1, s5  }
0x6: {  	s4 =	sadd.s32 $0x400, s4;
	s5 =	simm.s32 $0x3;
	_ =	strace $0x80000047  }
0x7: {  	[tilespmem:s3], [sflag:$0x3] =	stream.linear.gather [hbm4b:s4+s3], $0x80, $0x38;
	[tilespmem:$0x4100] =	vst v63  }
0x8: {  	s29 =	sshll.u32 s1, $0x8;
	s6 =	sshll.u32 s21, $0x7;
	_ =	swait.ge [sflag:s5], $0x80  }
0x9: {  	s16 =	sor.u32 s6, s29;
	[sflag:s5] =	ssyncset.done $0x0  }
0xa: {  	v0 =	vmov s16;
	s6 =	sor.u32 $0x10, s16;
	[sflag:s5] =	ssyncadd.s32 $0xFFFFFF80  }
0xb: {  	v2 =	vlaneseq.u32;
	s17 =	sor.u32 $0x20, s16;
	v0 =	vmul.u32 $0xC8, v0;
	v1 =	vmov s6;
	v8 =	vld [tilespmem:$0x0]  }
0xc: {  	v7 =	vmul.u32 $0xC8, v2;
	s30 =	sor.u32 $0x30, s16;
	s18 =	sor.u32 $0x40, s16;
	v2 =	vmov s17;
	v1 =	vmul.u32 $0xC8, v1  }
0xd: {  	s31 =	sor.u32 $0x50, s16;
	v3 =	vmov s30;
	v4 =	vmov s18;
	v0 =	vbroadcast v0, $0x0  }
0xe: {  	v5 =	vmov s31;
	v2 =	vmul.u32 $0xC8, v2;
	v1 =	vbroadcast v1, $0x0  }
0xf: {  	v3 =	vmul.u32 $0xC8, v3;
	v4 =	vmul.u32 $0xC8, v4;
	v0 =	vadd.s32 v7, v0  }
0x10: {  	s9 =	sor.u32 $0x70, s16;
	v2 =	vbroadcast v2, $0x0;
	v1 =	vadd.s32 v7, v1;
	v6 =	vadd.s32 v0, v8  }
0x11: {  	s7 =	simm.s32 $0x80;
	v10 =	vmov s9;
	v3 =	vbroadcast v3, $0x0;
	v9 =	vadd.s32 v1, v8;
	[tilespmem:$0x80] =	vst v6  }
0x12: {  	s8 =	simm.s32 $0x100;
	s20 =	sor.u32 $0x60, s16;
	s6 =	simm.s32 $0x20;
	v5 =	vmul.u32 $0xC8, v5;
	v4 =	vbroadcast v4, $0x0;
	v2 =	vadd.s32 v7, v2;
	[tilespmem:$0x90] =	vst v9  }
0x13: {  	v3 =	vadd.s32 v7, v3;
	v59 =	vadd.s32 v2, v8;
	v6 =	vmov s20;
	[tilespmem:s8], [sflag:$0x1] =	stream.indirect.gather [hbm4b:s2+s6], $0x80, s7, s6, $0xb8;
	[tilespmem:$0x4100] =	vst v63  }
0x14: {  	v5 =	vbroadcast v5, $0x0;
	v60 =	vadd.s32 v3, v8;
	v6 =	vmul.u32 $0xC8, v6;
	[tilespmem:$0xA0] =	vst v59  }
0x15: {  	s10 =	simm.s32 $0x1100;
	s9 =	simm.s32 $0xA0;
	v10 =	vmul.u32 $0xC8, v10;
	v4 =	vadd.s32 v7, v4;
	[tilespmem:$0xB0] =	vst v60  }
0x16: {  	v5 =	vadd.s32 v7, v5;
	v61 =	vadd.s32 v4, v8;
	v6 =	vbroadcast v6, $0x0;
	[tilespmem:s10], [sflag:$0x1] =	stream.indirect.gather [hbm4b:s2+s6], $0x80, s9, s6, $0xb8;
	[tilespmem:$0x4100] =	vst v63  }
0x17: {  	v10 =	vbroadcast v10, $0x0;
	v62 =	vadd.s32 v5, v8;
	[tilespmem:$0xC0] =	vst v61  }
0x18: {  	s11 =	simm.s32 $0xC0;
	s12 =	simm.s32 $0x2100;
	[tilespmem:$0xD0] =	vst v62;
	v6 =	vadd.s32 v7, v6  }
0x19: {  	v7 =	vadd.s32 v7, v10;
	[tilespmem:s12], [sflag:$0x1] =	stream.indirect.gather [hbm4b:s2+s6], $0x80, s11, s6, $0xb8;
	v63 =	vadd.s32 v6, v8;
	[tilespmem:$0x4100] =	vst v63  }
0x1a: {  	v8 =	vadd.s32 v7, v8;
	[tilespmem:$0xE0] =	vst v63  }
0x1b: {  	s13 =	simm.s32 $0xE0;
	s14 =	simm.s32 $0x3100;
	s15 =	simm.s32 $0x1;
	[tilespmem:$0xF0] =	vst v8  }
0x1c: {  	[tilespmem:s14], [sflag:$0x1] =	stream.indirect.gather [hbm4b:s2+s6], $0x80, s13, s6, $0xb8;
	[tilespmem:$0x4100] =	vst v63  }
0x1d: {  	_ =	swait.ge [sflag:s15], $0x1000  }
0x1e: {  	s16 =	sshll.u32 s16, $0x4;
	[sflag:s15] =	ssyncset.done $0x0  }
0x1f: {  	s16 =	sadd.s32 s19, s16;
	[sflag:s15] =	ssyncadd.s32 $0xFFFFF000  }
0x20: {  	[hbm4b:s16+s3] =	stream.linear.scatter [tilespmem:s8], [sflag:$0x2], $0x1000, $0x38;
	[tilespmem:$0x4100] =	vst v63  }
0x21: {  	_ =	swait.ge [sflag:s15], $0x1000  }
0x22: {  	s17 =	sshll.u32 s17, $0x4;
	[sflag:s15] =	ssyncset.done $0x0  }
0x23: {  	s17 =	sadd.s32 s19, s17;
	[sflag:s15] =	ssyncadd.s32 $0xFFFFF000  }
0x24: {  	[hbm4b:s17+s3] =	stream.linear.scatter [tilespmem:s10], [sflag:$0x2], $0x1000, $0x38;
	[tilespmem:$0x4100] =	vst v63  }
0x25: {  	_ =	swait.ge [sflag:s15], $0x1000  }
0x26: {  	s18 =	sshll.u32 s18, $0x4;
	[sflag:s15] =	ssyncset.done $0x0  }
0x27: {  	s21 =	ssub.s32 $0x2, s21;
	s18 =	sadd.s32 s19, s18;
	[sflag:s15] =	ssyncadd.s32 $0xFFFFF000  }
0x28: {  	[hbm4b:s18+s3] =	stream.linear.scatter [tilespmem:s12], [sflag:$0x2], $0x1000, $0x38;
	[tilespmem:$0x4100] =	vst v63  }
0x29: {  	s22 =	sshrl.u32 s21, $0x1;
	_ =	swait.ge [sflag:s15], $0x1000  }
0x2a: {  	s21 =	ssub.s32 s21, s22;
	s20 =	sshll.u32 s20, $0x4;
	[sflag:s15] =	ssyncset.done $0x0  }
0x2b: {  	s20 =	sadd.s32 s19, s20;
	s19 =	simm.s32 $0x2;
	[sflag:s15] =	ssyncadd.s32 $0xFFFFF000  }
0x2c: {  	[hbm4b:s20+s3] =	stream.linear.scatter [tilespmem:s14], [sflag:$0x2], $0x1000, $0x38;
	[tilespmem:$0x4100] =	vst v63  }
0x2d: {  	s21 =	smax.u32 s21, $0x1;
	_ =	swait.ge [sflag:s19], $0x1000  }
0x2e: {  	p0 =	sne.s32 s21, $0x1;
	[sflag:s19] =	ssyncset.done $0x0  }
.Ltmp0:
0x2f: {  	[sflag:s19] =	ssyncadd.s32 $0xFFFFF000;
	(pc) =	sbr.rel @!p0 .LBB2_2-.Ltmp0, $4  }
0x30: {  	_ =	swait.ge [sflag:s19], $0x1000  }
0x31: {  	[sflag:s19] =	ssyncset.done $0x0  }
0x32: {  	[sflag:s19] =	ssyncadd.s32 $0xFFFFF000  }
0x33: {  	s21 =	sadd.s32 $0xFFFFFFFF, s21;
	_ =	swait.ge [sflag:s19], $0x1000  }
.LBB2_1:
0x34: {  	p0 =	sne.s32 s21, $0x1;
	s21 =	sadd.s32 $0xFFFFFFFF, s21;
	[sflag:s19] =	ssyncset.done $0x0  }
0x35: {  	[sflag:s19] =	ssyncadd.s32 $0xFFFFF000  }
0x36: {  	_ =	swait.ge [sflag:s19], $0x1000  }
0x37: {  	[sflag:s19] =	ssyncset.done $0x0  }
0x38: {  	[sflag:s19] =	ssyncadd.s32 $0xFFFFF000  }
0x39: {  	[tilespmem:s3], [sflag:$0x3] =	stream.linear.gather [hbm4b:s4+s3], $0x80, $0x38;
	[tilespmem:$0x4100] =	vst v63  }
0x3a: {  	_ =	swait.ge [sflag:s5], $0x80  }
0x3b: {  	[sflag:s5] =	ssyncset.done $0x0  }
0x3c: {  	[sflag:s5] =	ssyncadd.s32 $0xFFFFFF80  }
0x3d: {  	v8 =	vld [tilespmem:$0x0];
	_ =	sdelay $0x4  }
0x3e: {  	v9 =	vadd.s32 v0, v8;
	v10 =	vadd.s32 v1, v8  }
0x3f: {  	[tilespmem:$0x80] =	vst v9  }
0x40: {  	[tilespmem:$0x90] =	vst v10  }
0x41: {  	v9 =	vadd.s32 v2, v8;
	v10 =	vadd.s32 v3, v8;
	[tilespmem:s8], [sflag:$0x1] =	stream.indirect.gather [hbm4b:s2+s6], $0x80, s7, s6, $0xb8;
	[tilespmem:$0x4100] =	vst v63  }
0x42: {  	[tilespmem:$0xA0] =	vst v9  }
0x43: {  	[tilespmem:$0xB0] =	vst v10  }
0x44: {  	v9 =	vadd.s32 v4, v8;
	v10 =	vadd.s32 v5, v8;
	[tilespmem:s10], [sflag:$0x1] =	stream.indirect.gather [hbm4b:s2+s6], $0x80, s9, s6, $0xb8;
	[tilespmem:$0x4100] =	vst v63  }
0x45: {  	[tilespmem:$0xC0] =	vst v9  }
0x46: {  	[tilespmem:$0xD0] =	vst v10  }
0x47: {  	v9 =	vadd.s32 v6, v8;
	v8 =	vadd.s32 v7, v8;
	[tilespmem:s12], [sflag:$0x1] =	stream.indirect.gather [hbm4b:s2+s6], $0x80, s11, s6, $0xb8;
	[tilespmem:$0x4100] =	vst v63  }
0x48: {  	[tilespmem:$0xE0] =	vst v9  }
0x49: {  	[tilespmem:$0xF0] =	vst v8  }
0x4a: {  	[tilespmem:s14], [sflag:$0x1] =	stream.indirect.gather [hbm4b:s2+s6], $0x80, s13, s6, $0xb8;
	[tilespmem:$0x4100] =	vst v63  }
0x4b: {  	_ =	swait.ge [sflag:s15], $0x1000  }
0x4c: {  	[sflag:s15] =	ssyncset.done $0x0  }
0x4d: {  	[sflag:s15] =	ssyncadd.s32 $0xFFFFF000  }
0x4e: {  	[hbm4b:s16+s3] =	stream.linear.scatter [tilespmem:s8], [sflag:$0x2], $0x1000, $0x38;
	[tilespmem:$0x4100] =	vst v63  }
0x4f: {  	_ =	swait.ge [sflag:s15], $0x1000  }
0x50: {  	[sflag:s15] =	ssyncset.done $0x0  }
0x51: {  	[sflag:s15] =	ssyncadd.s32 $0xFFFFF000  }
0x52: {  	[hbm4b:s17+s3] =	stream.linear.scatter [tilespmem:s10], [sflag:$0x2], $0x1000, $0x38;
	[tilespmem:$0x4100] =	vst v63  }
0x53: {  	_ =	swait.ge [sflag:s15], $0x1000  }
0x54: {  	[sflag:s15] =	ssyncset.done $0x0  }
0x55: {  	[sflag:s15] =	ssyncadd.s32 $0xFFFFF000  }
0x56: {  	[hbm4b:s18+s3] =	stream.linear.scatter [tilespmem:s12], [sflag:$0x2], $0x1000, $0x38;
	[tilespmem:$0x4100] =	vst v63  }
0x57: {  	_ =	swait.ge [sflag:s15], $0x1000  }
0x58: {  	[sflag:s15] =	ssyncset.done $0x0  }
0x59: {  	[sflag:s15] =	ssyncadd.s32 $0xFFFFF000  }
0x5a: {  	[hbm4b:s20+s3] =	stream.linear.scatter [tilespmem:s14], [sflag:$0x2], $0x1000, $0x38;
	[tilespmem:$0x4100] =	vst v63  }
0x5b: {  	_ =	swait.ge [sflag:s19], $0x1000  }
0x5c: {  	[sflag:s19] =	ssyncset.done $0x0  }
.Ltmp1:
0x5d: {  	[sflag:s19] =	ssyncadd.s32 $0xFFFFF000;
	(pc) =	sbr.rel @p0 .LBB2_1-.Ltmp1, $4  }
0x5e: {  	_ =	swait.ge [sflag:s19], $0x1000  }
0x5f: {  	[sflag:s19] =	ssyncset.done $0x0  }
0x60: {  	[sflag:s19] =	ssyncadd.s32 $0xFFFFF000  }
0x61: {  	_ =	swait.ge [sflag:s19], $0x1000  }
.LBB2_2:
0x62: {  	[sflag:s19] =	ssyncset.done $0x0  }
0x63: {  	[sflag:s19] =	ssyncadd.s32 $0xFFFFF000  }
0x64: {  	_ =	swait.ge [sflag:s19], $0x1000  }
0x65: {  	[sflag:s19] =	ssyncset.done $0x0  }
0x66: {  	[sflag:s19] =	ssyncadd.s32 $0xFFFFF000  }
0x67: {  	_ =	sfence.sel $0x180000  }
0x68: {  	[bflag:$0x0] =	sbarrier.arrive $0xFFFF  }
0x69: {  	p0 =	sne.s32 s1, $0x0;
	_ =	strace $0x90000047  }
0x6a: {  	s0 =	sadd.s32 @!p0 $0x100000, s0;
	[bflag:$0x2] =	sbarrier.arrive $0xFFFF  }
0x6b: {  	[sflag:s0] =	ssyncadd.tile.s32 @!p0 $0x1;
	_ =	shalt  }
.Lfunc_end2:
_tile_overlayer_lowered:
.L_overlay_start_2:
0x6c: {  	(tag) =	ssettag $0x2  }
0x6d: {  	s0 =	rddreg [dreg:$0x0];
	s2 =	stileid.u32  }
0x6e: {  	s1 =	rddreg [dreg:$0x1];
	p0 =	sne.s32 s2, $0x0  }
0x6f: {  	s3 =	rddreg [dreg:$0x2];
	[bflag:$0x3] =	sbarrier.arrive $0xFFFF;
	s2 =	simm.s32 @!p0 $0x1C03  }
0x70: {  	[timem:s3], [sflag:s2] =	dma.local @!p0 [hbm:s0], s1  }
0x71: {  	s0 =	simm.s32 @!p0 $0x3  }
0x72: {  	_ =	swait.ge @!p0 [sflag:s0], s1  }
0x73: {  	s1 =	ssub.s32 @!p0 $0x0, s1;
	[sflag:s0] =	ssyncset.done @!p0 $0x0  }
0x74: {  	[sflag:s0] =	ssyncadd.s32 @!p0 s1  }
0x75: {  	[bflag:$0x3] =	sbarrier.arrive $0xFFFF  }
0x76: {  	_ =	shalt  }

</sc_bundles>
